<compile_context>
chip_gen: v7x
topology: tpu7x:2x2x1
jax: 0.10.2.dev20260603
libtpu: 0.0.44.dev20260713+nightly
codegen_flags: <defaults>
</compile_context>

<pallas_src>
import functools

import jax
import jax.numpy as jnp
from jax import lax
from jax.experimental import pallas as pl
from jax.experimental.pallas import tpu as pltpu
from jax.experimental.pallas import tpu_sc as plsc

N = 320000
D = 128
NUM_SEG = 10000

NC = 2
NS = 16
COLS = D // NC
ROWS_PER_TILE = N // NS
BLK = 400
NBLK = ROWS_PER_TILE // BLK
NBUF = 3
SEG_PER_TILE = NUM_SEG // NS
ZROWS = 125

_mesh = plsc.VectorSubcoreMesh(
    core_axis_name="c", subcore_axis_name="s", num_cores=NC, num_subcores=NS
)


@functools.partial(
    pl.kernel,
    out_type=jax.ShapeDtypeStruct((NUM_SEG, D), jnp.float32),
    mesh=_mesh,
    scratch_types=[
        [pltpu.VMEM((BLK, COLS), jnp.float32) for _ in range(NBUF)],
        [pltpu.VMEM((BLK,), jnp.int32) for _ in range(NBUF)],
        [pltpu.SemaphoreType.DMA for _ in range(NBUF)],
        [pltpu.SemaphoreType.DMA for _ in range(NBUF)],
        pltpu.VMEM((ZROWS, COLS), jnp.float32),
        pltpu.VMEM_SHARED((NUM_SEG, COLS), jnp.float32),
    ],
    compiler_params=pltpu.CompilerParams(use_tc_tiling_on_sc=False, skip_device_barrier=True),
)
def _segment_sum_sc(x_hbm, batch_hbm, out_hbm, rows, idx, gsem, ssem, zbuf, acc_sh):
    c = lax.axis_index("c")
    s = lax.axis_index("s")
    col0 = c * COLS
    row_base = s * ROWS_PER_TILE
    seg0 = s * SEG_PER_TILE

    def gather_descs(k, b):
        r0 = row_base + k * BLK
        return [
            pltpu.make_async_copy(
                x_hbm.at[pl.ds(r0, BLK), pl.ds(col0, COLS)], rows[b], gsem[b]
            ),
            pltpu.make_async_copy(
                batch_hbm.at[pl.ds(r0, BLK)], idx[b], gsem[b]
            ),
        ]

    def start_gather(k, b):
        for d in gather_descs(k, b):
            d.start()

    def wait_gather(k, b):
        for d in gather_descs(k, b):
            d.wait()

    def start_scatter(b):
        pltpu.async_copy(rows[b], acc_sh.at[idx[b]], ssem[b], add=True)

    def drain_scatter(b):
        pltpu.make_async_copy(rows[b], acc_sh.at[idx[b]], ssem[b]).wait()

    start_gather(0, 0)
    start_gather(1, 1)

    zero = jnp.zeros((16,), jnp.float32)
    cpr = COLS // 16

    def zero_body(i, carry):
        zbuf[i // cpr, pl.ds((i % cpr) * 16, 16)] = zero
        return carry

    lax.fori_loop(0, ZROWS * cpr, zero_body, 0)
    for m in range(SEG_PER_TILE // ZROWS):
        pltpu.async_copy(zbuf, acc_sh.at[pl.ds(seg0 + m * ZROWS, ZROWS)], ssem[0])
    for m in range(SEG_PER_TILE // ZROWS):
        pltpu.make_async_copy(zbuf, acc_sh.at[pl.ds(seg0 + m * ZROWS, ZROWS)], ssem[0]).wait()
    plsc.subcore_barrier()

    def process(k, b):
        wait_gather(k, b)
        start_scatter(b)

        @pl.when(k >= 1)
        def _drain():
            drain_scatter((b + 2) % NBUF)

        @pl.when(k < NBLK - 2)
        def _next():
            start_gather(k + 2, (b + 2) % NBUF)

    def outer(t, carry):
        for b in range(NBUF):
            process(t * NBUF + b, b)
        return carry

    lax.fori_loop(0, NBLK // NBUF, outer, 0)
    for k in range((NBLK // NBUF) * NBUF, NBLK):
        process(k, k % NBUF)
    drain_scatter((NBLK - 1) % NBUF)
    plsc.subcore_barrier()

    pltpu.sync_copy(
        acc_sh.at[pl.ds(seg0, SEG_PER_TILE)],
        out_hbm.at[pl.ds(seg0, SEG_PER_TILE), pl.ds(col0, COLS)],
    )


def kernel(x, batch):
    return _segment_sum_sc(x, batch)

# --- scband reference (transcript-rebuilt; emitter-appended) ---
"""Pipeline reference for scband-output-model-11914239279558 (READ-ONLY COPY).

The authoritative reference and input builder live on the scoring server;
editing this copy changes nothing except your own understanding.
"""

import jax, jax.numpy as jnp
import numpy as np

N = 320000
D = 128
NUM_SEG = 10000

def setup_inputs(seed: int = 0) -> dict:
    key = jax.random.key(seed)
    k1, k2 = jax.random.split(key)
    x = jax.random.normal(k1, (N, D), dtype=jnp.float32)
    batch = jnp.sort(jax.random.randint(k2, (N,), 0, NUM_SEG, dtype=jnp.int32))
    return {"x": x, "batch": batch}

def reference(x, batch):
    # OutputModel.reduce: dim_size = int(batch.max()+1); here batch is drawn
    # uniformly over [0, NUM_SEG) so dim_size == NUM_SEG (static for jit).
    # reduce_op == "sum" -> scatter-add / segment_sum along dim 0.
    out = jax.ops.segment_sum(x, batch, num_segments=NUM_SEG)
    # post_reduce is identity
    return out

if __name__ == "__main__":
    import jax
    _d = setup_inputs()
    print(jax.jit(kernel)(*tuple(_d.values())))

</pallas_src>

<mosaic_0001>
#map = affine_map<(d0, d1) -> (0, 0)>
#map1 = affine_map<(d0, d1) -> (0)>
module attributes {stable_mosaic.version = 14 : i64} {
  func.func @_segment_sum_sc(%arg0: i32, %arg1: i32, %arg2: memref<320000x128xf32, #tpu.memory_space<hbm>>, %arg3: memref<320000xi32, #tpu.memory_space<hbm>>, %arg4: memref<10000x128xf32, #tpu.memory_space<hbm>>, %arg5: memref<400x64xf32, #tpu.memory_space<vmem>>, %arg6: memref<400x64xf32, #tpu.memory_space<vmem>>, %arg7: memref<400x64xf32, #tpu.memory_space<vmem>>, %arg8: memref<400xi32, #tpu.memory_space<vmem>>, %arg9: memref<400xi32, #tpu.memory_space<vmem>>, %arg10: memref<400xi32, #tpu.memory_space<vmem>>, %arg11: memref<!tpu.dma_semaphore, #tpu.memory_space<semaphore_mem>>, %arg12: memref<!tpu.dma_semaphore, #tpu.memory_space<semaphore_mem>>, %arg13: memref<!tpu.dma_semaphore, #tpu.memory_space<semaphore_mem>>, %arg14: memref<!tpu.dma_semaphore, #tpu.memory_space<semaphore_mem>>, %arg15: memref<!tpu.dma_semaphore, #tpu.memory_space<semaphore_mem>>, %arg16: memref<!tpu.dma_semaphore, #tpu.memory_space<semaphore_mem>>, %arg17: memref<125x64xf32, #tpu.memory_space<vmem>>, %arg18: memref<10000x64xf32, #tpu.memory_space<vmem_shared>>) attributes {dimension_semantics = [#tpu.dimension_semantics<core_parallel>, #tpu.dimension_semantics<subcore_parallel>], iteration_bounds = array<i64: 2, 16>, scalar_prefetch = 0 : i64, scratch_operands = 14 : i64, tpu.core_type = #tpu.core_type<sc_vector_subcore>, window_params = [{transform_indices = #map}, {transform_indices = #map1}, {transform_indices = #map}]} {
    %mul3A = arith.constant 64 : i32
    %mul3A_0 = arith.muli %arg0, %mul3A : i32
    %mul3A_1 = arith.constant 20000 : i32
    %mul3A_2 = arith.muli %arg1, %mul3A_1 : i32
    %mul3A_3 = arith.constant 625 : i32
    %mul3A_4 = arith.muli %arg1, %mul3A_3 : i32
    %add3A = arith.constant 0 : i32
    %add3A_5 = arith.addi %mul3A_2, %add3A : i32
    %dma_start3A = tpu.memref_slice %arg2[%add3A_5, %mul3A_0] : memref<320000x128xf32, #tpu.memory_space<hbm>> -> memref<400x64xf32, #tpu.memory_space<hbm>>
    %dma_start3A_6 = tpu.memref_slice %arg2[%add3A_5, %mul3A_0] : memref<320000x128xf32, #tpu.memory_space<hbm>> -> memref<400x64xf32, #tpu.memory_space<hbm>>
    tpu.enqueue_dma source(%dma_start3A_6 : memref<400x64xf32, #tpu.memory_space<hbm>>) target(%arg5 : memref<400x64xf32, #tpu.memory_space<vmem>>) target_semaphore(%arg11 : memref<!tpu.dma_semaphore, #tpu.memory_space<semaphore_mem>>)
    %dma_start3A_7 = tpu.memref_slice %arg3[%add3A_5] : memref<320000xi32, #tpu.memory_space<hbm>> -> memref<400xi32, #tpu.memory_space<hbm>>
    %dma_start3A_8 = tpu.memref_slice %arg3[%add3A_5] : memref<320000xi32, #tpu.memory_space<hbm>> -> memref<400xi32, #tpu.memory_space<hbm>>
    tpu.enqueue_dma source(%dma_start3A_8 : memref<400xi32, #tpu.memory_space<hbm>>) target(%arg8 : memref<400xi32, #tpu.memory_space<vmem>>) target_semaphore(%arg11 : memref<!tpu.dma_semaphore, #tpu.memory_space<semaphore_mem>>)
    %add3A_9 = arith.constant 400 : i32
    %add3A_10 = arith.addi %mul3A_2, %add3A_9 : i32
    %dma_start3A_11 = tpu.memref_slice %arg2[%add3A_10, %mul3A_0] : memref<320000x128xf32, #tpu.memory_space<hbm>> -> memref<400x64xf32, #tpu.memory_space<hbm>>
    %dma_start3A_12 = tpu.memref_slice %arg2[%add3A_10, %mul3A_0] : memref<320000x128xf32, #tpu.memory_space<hbm>> -> memref<400x64xf32, #tpu.memory_space<hbm>>
    tpu.enqueue_dma source(%dma_start3A_12 : memref<400x64xf32, #tpu.memory_space<hbm>>) target(%arg6 : memref<400x64xf32, #tpu.memory_space<vmem>>) target_semaphore(%arg12 : memref<!tpu.dma_semaphore, #tpu.memory_space<semaphore_mem>>)
    %dma_start3A_13 = tpu.memref_slice %arg3[%add3A_10] : memref<320000xi32, #tpu.memory_space<hbm>> -> memref<400xi32, #tpu.memory_space<hbm>>
    %dma_start3A_14 = tpu.memref_slice %arg3[%add3A_10] : memref<320000xi32, #tpu.memory_space<hbm>> -> memref<400xi32, #tpu.memory_space<hbm>>
    tpu.enqueue_dma source(%dma_start3A_14 : memref<400xi32, #tpu.memory_space<hbm>>) target(%arg9 : memref<400xi32, #tpu.memory_space<vmem>>) target_semaphore(%arg12 : memref<!tpu.dma_semaphore, #tpu.memory_space<semaphore_mem>>)
    %broadcast_in_dim3A = arith.constant 0.000000e+00 : f32
    %broadcast_in_dim3A_15 = vector.broadcast %broadcast_in_dim3A : f32 to vector<16xf32>
    %scan3A = arith.constant 0 : i32
    %scan3A_16 = arith.constant 0 : i32
    %scan3A_17 = arith.constant 500 : i32
    %scan3A_18 = arith.addi %scan3A_16, %scan3A_17 : i32
    %scan3A_19 = arith.constant 1 : i32
    scf.for %scan3A_114 = %scan3A_16 to %scan3A_18 step %scan3A_19  : i32 {
      %jit3A = arith.constant 4 : i32
      %div3A = arith.divsi %scan3A_114, %jit3A : i32
      %sign3A = arith.constant 0 : i32
      %sign3A_115 = arith.cmpi sgt, %scan3A_114, %sign3A : i32
      %sign3A_116 = arith.extui %sign3A_115 : i1 to i32
      %sign3A_117 = arith.constant 0 : i32
      %sign3A_118 = arith.cmpi slt, %scan3A_114, %sign3A_117 : i32
      %sign3A_119 = arith.extui %sign3A_118 : i1 to i32
      %sign3A_120 = arith.subi %sign3A_116, %sign3A_119 : i32
      %sign3A_121 = arith.constant 0 : i32
      %sign3A_122 = arith.cmpi sgt, %jit3A, %sign3A_121 : i32
      %sign3A_123 = arith.extui %sign3A_122 : i1 to i32
      %sign3A_124 = arith.constant 0 : i32
      %sign3A_125 = arith.cmpi slt, %jit3A, %sign3A_124 : i32
      %sign3A_126 = arith.extui %sign3A_125 : i1 to i32
      %sign3A_127 = arith.subi %sign3A_123, %sign3A_126 : i32
      %ne3A = arith.cmpi ne, %sign3A_120, %sign3A_127 : i32
      %rem3A = arith.remsi %scan3A_114, %jit3A : i32
      %ne3A_128 = arith.constant 0 : i32
      %ne3A_129 = arith.cmpi ne, %rem3A, %ne3A_128 : i32
      %and3A = arith.andi %ne3A, %ne3A_129 : i1
      %sub3A = arith.constant 1 : i32
      %sub3A_130 = arith.subi %div3A, %sub3A : i32
      %select_n3A = arith.select %and3A, %sub3A_130, %div3A : i32
      %jit3A_131 = arith.constant 4 : i32
      %eq3A = arith.constant 0 : i32
      %eq3A_132 = arith.cmpi eq, %jit3A_131, %eq3A : i32
      %jit3A_133 = arith.constant 1 : i32
      %select_n3A_134 = arith.select %eq3A_132, %jit3A_133, %jit3A_131 : i32
      %rem3A_135 = arith.remsi %scan3A_114, %select_n3A_134 : i32
      %ne3A_136 = arith.constant 0 : i32
      %ne3A_137 = arith.cmpi ne, %rem3A_135, %ne3A_136 : i32
      %lt3A = arith.constant 0 : i32
      %lt3A_138 = arith.cmpi slt, %rem3A_135, %lt3A : i32
      %lt3A_139 = arith.constant 0 : i32
      %lt3A_140 = arith.cmpi slt, %select_n3A_134, %lt3A_139 : i32
      %ne3A_141 = arith.xori %lt3A_138, %lt3A_140 : i1
      %and3A_142 = arith.andi %ne3A_141, %ne3A_137 : i1
      %add3A_143 = arith.addi %rem3A_135, %select_n3A_134 : i32
      %select_n3A_144 = arith.select %and3A_142, %add3A_143, %rem3A_135 : i32
      %mul3A_145 = arith.constant 16 : i32
      %mul3A_146 = arith.muli %select_n3A_144, %mul3A_145 : i32
      %swap3A = arith.index_cast %select_n3A : i32 to index
      %swap3A_147 = arith.index_cast %mul3A_146 : i32 to index
      %swap3A_148 = tpu.vector_load %arg17[%swap3A, %swap3A_147] {strides = array<i32>} : memref<125x64xf32, #tpu.memory_space<vmem>>, vector<1x16xf32>,
      %swap3A_149 = vector.shape_cast %swap3A_148 : vector<1x16xf32> to vector<16xf32>
      %swap3A_150 = vector.shape_cast %broadcast_in_dim3A_15 : vector<16xf32> to vector<1x16xf32>
      tpu.vector_store %arg17[%swap3A, %swap3A_147], %swap3A_150 {strides = array<i32>} : memref<125x64xf32, #tpu.memory_space<vmem>>, vector<1x16xf32>,
    }
    %scan3A_20 = arith.constant 500 : i32
    %add3A_21 = arith.constant 0 : i32
    %add3A_22 = arith.addi %mul3A_4, %add3A_21 : i32
    %dma_start3A_23 = arith.constant 0 : i32
    %dma_start3A_24 = tpu.memref_slice %arg18[%add3A_22, %dma_start3A_23] : memref<10000x64xf32, #tpu.memory_space<vmem_shared>> -> memref<125x64xf32, #tpu.memory_space<vmem_shared>>
    %dma_start3A_25 = arith.constant 0 : i32
    %dma_start3A_26 = tpu.memref_slice %arg18[%add3A_22, %dma_start3A_25] : memref<10000x64xf32, #tpu.memory_space<vmem_shared>> -> memref<125x64xf32, #tpu.memory_space<vmem_shared>>
    tpu.enqueue_dma source(%arg17 : memref<125x64xf32, #tpu.memory_space<vmem>>) target(%dma_start3A_26 : memref<125x64xf32, #tpu.memory_space<vmem_shared>>) target_semaphore(%arg14 : memref<!tpu.dma_semaphore, #tpu.memory_space<semaphore_mem>>)
    %add3A_27 = arith.constant 125 : i32
    %add3A_28 = arith.addi %mul3A_4, %add3A_27 : i32
    %dma_start3A_29 = arith.constant 0 : i32
    %dma_start3A_30 = tpu.memref_slice %arg18[%add3A_28, %dma_start3A_29] : memref<10000x64xf32, #tpu.memory_space<vmem_shared>> -> memref<125x64xf32, #tpu.memory_space<vmem_shared>>
    %dma_start3A_31 = arith.constant 0 : i32
    %dma_start3A_32 = tpu.memref_slice %arg18[%add3A_28, %dma_start3A_31] : memref<10000x64xf32, #tpu.memory_space<vmem_shared>> -> memref<125x64xf32, #tpu.memory_space<vmem_shared>>
    tpu.enqueue_dma source(%arg17 : memref<125x64xf32, #tpu.memory_space<vmem>>) target(%dma_start3A_32 : memref<125x64xf32, #tpu.memory_space<vmem_shared>>) target_semaphore(%arg14 : memref<!tpu.dma_semaphore, #tpu.memory_space<semaphore_mem>>)
    %add3A_33 = arith.constant 250 : i32
    %add3A_34 = arith.addi %mul3A_4, %add3A_33 : i32
    %dma_start3A_35 = arith.constant 0 : i32
    %dma_start3A_36 = tpu.memref_slice %arg18[%add3A_34, %dma_start3A_35] : memref<10000x64xf32, #tpu.memory_space<vmem_shared>> -> memref<125x64xf32, #tpu.memory_space<vmem_shared>>
    %dma_start3A_37 = arith.constant 0 : i32
    %dma_start3A_38 = tpu.memref_slice %arg18[%add3A_34, %dma_start3A_37] : memref<10000x64xf32, #tpu.memory_space<vmem_shared>> -> memref<125x64xf32, #tpu.memory_space<vmem_shared>>
    tpu.enqueue_dma source(%arg17 : memref<125x64xf32, #tpu.memory_space<vmem>>) target(%dma_start3A_38 : memref<125x64xf32, #tpu.memory_space<vmem_shared>>) target_semaphore(%arg14 : memref<!tpu.dma_semaphore, #tpu.memory_space<semaphore_mem>>)
    %add3A_39 = arith.constant 375 : i32
    %add3A_40 = arith.addi %mul3A_4, %add3A_39 : i32
    %dma_start3A_41 = arith.constant 0 : i32
    %dma_start3A_42 = tpu.memref_slice %arg18[%add3A_40, %dma_start3A_41] : memref<10000x64xf32, #tpu.memory_space<vmem_shared>> -> memref<125x64xf32, #tpu.memory_space<vmem_shared>>
    %dma_start3A_43 = arith.constant 0 : i32
    %dma_start3A_44 = tpu.memref_slice %arg18[%add3A_40, %dma_start3A_43] : memref<10000x64xf32, #tpu.memory_space<vmem_shared>> -> memref<125x64xf32, #tpu.memory_space<vmem_shared>>
    tpu.enqueue_dma source(%arg17 : memref<125x64xf32, #tpu.memory_space<vmem>>) target(%dma_start3A_44 : memref<125x64xf32, #tpu.memory_space<vmem_shared>>) target_semaphore(%arg14 : memref<!tpu.dma_semaphore, #tpu.memory_space<semaphore_mem>>)
    %add3A_45 = arith.constant 500 : i32
    %add3A_46 = arith.addi %mul3A_4, %add3A_45 : i32
    %dma_start3A_47 = arith.constant 0 : i32
    %dma_start3A_48 = tpu.memref_slice %arg18[%add3A_46, %dma_start3A_47] : memref<10000x64xf32, #tpu.memory_space<vmem_shared>> -> memref<125x64xf32, #tpu.memory_space<vmem_shared>>
    %dma_start3A_49 = arith.constant 0 : i32
    %dma_start3A_50 = tpu.memref_slice %arg18[%add3A_46, %dma_start3A_49] : memref<10000x64xf32, #tpu.memory_space<vmem_shared>> -> memref<125x64xf32, #tpu.memory_space<vmem_shared>>
    tpu.enqueue_dma source(%arg17 : memref<125x64xf32, #tpu.memory_space<vmem>>) target(%dma_start3A_50 : memref<125x64xf32, #tpu.memory_space<vmem_shared>>) target_semaphore(%arg14 : memref<!tpu.dma_semaphore, #tpu.memory_space<semaphore_mem>>)
    %add3A_51 = arith.constant 0 : i32
    %add3A_52 = arith.addi %mul3A_4, %add3A_51 : i32
    %dma_wait3A = arith.constant 0 : i32
    %dma_wait3A_53 = tpu.memref_slice %arg18[%add3A_52, %dma_wait3A] : memref<10000x64xf32, #tpu.memory_space<vmem_shared>> -> memref<125x64xf32, #tpu.memory_space<vmem_shared>>
    %dma_wait3A_54 = arith.constant 0 : i32
    %dma_wait3A_55 = tpu.memref_slice %arg18[%add3A_52, %dma_wait3A_54] : memref<10000x64xf32, #tpu.memory_space<vmem_shared>> -> memref<125x64xf32, #tpu.memory_space<vmem_shared>>
    tpu.wait_dma2 semaphore(%arg14 : memref<!tpu.dma_semaphore, #tpu.memory_space<semaphore_mem>>) src(%arg17 : memref<125x64xf32, #tpu.memory_space<vmem>>) dst(%dma_wait3A_55 : memref<125x64xf32, #tpu.memory_space<vmem_shared>>)
    %add3A_56 = arith.constant 125 : i32
    %add3A_57 = arith.addi %mul3A_4, %add3A_56 : i32
    %dma_wait3A_58 = arith.constant 0 : i32
    %dma_wait3A_59 = tpu.memref_slice %arg18[%add3A_57, %dma_wait3A_58] : memref<10000x64xf32, #tpu.memory_space<vmem_shared>> -> memref<125x64xf32, #tpu.memory_space<vmem_shared>>
    %dma_wait3A_60 = arith.constant 0 : i32
    %dma_wait3A_61 = tpu.memref_slice %arg18[%add3A_57, %dma_wait3A_60] : memref<10000x64xf32, #tpu.memory_space<vmem_shared>> -> memref<125x64xf32, #tpu.memory_space<vmem_shared>>
    tpu.wait_dma2 semaphore(%arg14 : memref<!tpu.dma_semaphore, #tpu.memory_space<semaphore_mem>>) src(%arg17 : memref<125x64xf32, #tpu.memory_space<vmem>>) dst(%dma_wait3A_61 : memref<125x64xf32, #tpu.memory_space<vmem_shared>>)
    %add3A_62 = arith.constant 250 : i32
    %add3A_63 = arith.addi %mul3A_4, %add3A_62 : i32
    %dma_wait3A_64 = arith.constant 0 : i32
    %dma_wait3A_65 = tpu.memref_slice %arg18[%add3A_63, %dma_wait3A_64] : memref<10000x64xf32, #tpu.memory_space<vmem_shared>> -> memref<125x64xf32, #tpu.memory_space<vmem_shared>>
    %dma_wait3A_66 = arith.constant 0 : i32
    %dma_wait3A_67 = tpu.memref_slice %arg18[%add3A_63, %dma_wait3A_66] : memref<10000x64xf32, #tpu.memory_space<vmem_shared>> -> memref<125x64xf32, #tpu.memory_space<vmem_shared>>
    tpu.wait_dma2 semaphore(%arg14 : memref<!tpu.dma_semaphore, #tpu.memory_space<semaphore_mem>>) src(%arg17 : memref<125x64xf32, #tpu.memory_space<vmem>>) dst(%dma_wait3A_67 : memref<125x64xf32, #tpu.memory_space<vmem_shared>>)
    %add3A_68 = arith.constant 375 : i32
    %add3A_69 = arith.addi %mul3A_4, %add3A_68 : i32
    %dma_wait3A_70 = arith.constant 0 : i32
    %dma_wait3A_71 = tpu.memref_slice %arg18[%add3A_69, %dma_wait3A_70] : memref<10000x64xf32, #tpu.memory_space<vmem_shared>> -> memref<125x64xf32, #tpu.memory_space<vmem_shared>>
    %dma_wait3A_72 = arith.constant 0 : i32
    %dma_wait3A_73 = tpu.memref_slice %arg18[%add3A_69, %dma_wait3A_72] : memref<10000x64xf32, #tpu.memory_space<vmem_shared>> -> memref<125x64xf32, #tpu.memory_space<vmem_shared>>
    tpu.wait_dma2 semaphore(%arg14 : memref<!tpu.dma_semaphore, #tpu.memory_space<semaphore_mem>>) src(%arg17 : memref<125x64xf32, #tpu.memory_space<vmem>>) dst(%dma_wait3A_73 : memref<125x64xf32, #tpu.memory_space<vmem_shared>>)
    %add3A_74 = arith.constant 500 : i32
    %add3A_75 = arith.addi %mul3A_4, %add3A_74 : i32
    %dma_wait3A_76 = arith.constant 0 : i32
    %dma_wait3A_77 = tpu.memref_slice %arg18[%add3A_75, %dma_wait3A_76] : memref<10000x64xf32, #tpu.memory_space<vmem_shared>> -> memref<125x64xf32, #tpu.memory_space<vmem_shared>>
    %dma_wait3A_78 = arith.constant 0 : i32
    %dma_wait3A_79 = tpu.memref_slice %arg18[%add3A_75, %dma_wait3A_78] : memref<10000x64xf32, #tpu.memory_space<vmem_shared>> -> memref<125x64xf32, #tpu.memory_space<vmem_shared>>
    tpu.wait_dma2 semaphore(%arg14 : memref<!tpu.dma_semaphore, #tpu.memory_space<semaphore_mem>>) src(%arg17 : memref<125x64xf32, #tpu.memory_space<vmem>>) dst(%dma_wait3A_79 : memref<125x64xf32, #tpu.memory_space<vmem_shared>>)
    %barrier3A = arith.constant 0 : index
    tpu.barrier barrier_id(%barrier3A)
    %scan3A_80 = arith.constant 0 : i32
    %scan3A_81 = arith.constant 0 : i32
    %scan3A_82 = arith.constant 16 : i32
    %scan3A_83 = arith.addi %scan3A_81, %scan3A_82 : i32
    %scan3A_84 = arith.constant 1 : i32
    scf.for %scan3A_114 = %scan3A_81 to %scan3A_83 step %scan3A_84  : i32 {
      %mul3A_115 = arith.constant 3 : i32
      %mul3A_116 = arith.muli %scan3A_114, %mul3A_115 : i32
      %add3A_117 = arith.constant 0 : i32
      %add3A_118 = arith.addi %mul3A_116, %add3A_117 : i32
      %mul3A_119 = arith.constant 400 : i32
      %mul3A_120 = arith.muli %add3A_118, %mul3A_119 : i32
      %add3A_121 = arith.addi %mul3A_2, %mul3A_120 : i32
      %dma_wait3A_122 = tpu.memref_slice %arg2[%add3A_121, %mul3A_0] : memref<320000x128xf32, #tpu.memory_space<hbm>> -> memref<400x64xf32, #tpu.memory_space<hbm>>
      %dma_wait3A_123 = tpu.memref_slice %arg2[%add3A_121, %mul3A_0] : memref<320000x128xf32, #tpu.memory_space<hbm>> -> memref<400x64xf32, #tpu.memory_space<hbm>>
      tpu.wait_dma2 semaphore(%arg11 : memref<!tpu.dma_semaphore, #tpu.memory_space<semaphore_mem>>) src(%dma_wait3A_123 : memref<400x64xf32, #tpu.memory_space<hbm>>) dst(%arg5 : memref<400x64xf32, #tpu.memory_space<vmem>>)
      %dma_wait3A_124 = tpu.memref_slice %arg3[%add3A_121] : memref<320000xi32, #tpu.memory_space<hbm>> -> memref<400xi32, #tpu.memory_space<hbm>>
      %dma_wait3A_125 = tpu.memref_slice %arg3[%add3A_121] : memref<320000xi32, #tpu.memory_space<hbm>> -> memref<400xi32, #tpu.memory_space<hbm>>
      tpu.wait_dma2 semaphore(%arg11 : memref<!tpu.dma_semaphore, #tpu.memory_space<semaphore_mem>>) src(%dma_wait3A_125 : memref<400xi32, #tpu.memory_space<hbm>>) dst(%arg8 : memref<400xi32, #tpu.memory_space<vmem>>)
      %dma_start3A_126 = arith.constant 0 : i32
      %dma_start3A_127 = arith.constant 0 : i32
      %dma_start3A_128 = tpu.memref_slice %arg18[%dma_start3A_126, %dma_start3A_127] : memref<10000x64xf32, #tpu.memory_space<vmem_shared>> -> memref<10000x64xf32, #tpu.memory_space<vmem_shared>>
      tpu.enqueue_indirect_dma source(%arg5 : memref<400x64xf32, #tpu.memory_space<vmem>>) target(%dma_start3A_128 : memref<10000x64xf32, #tpu.memory_space<vmem_shared>>) offsets(%arg8 : memref<400xi32, #tpu.memory_space<vmem>>) semaphore(%arg14 : memref<!tpu.dma_semaphore, #tpu.memory_space<semaphore_mem>>) {add = true}
      %ge3A = arith.constant 1 : i32
      %ge3A_129 = arith.cmpi sge, %add3A_118, %ge3A : i32
      %convert_element_type3A = arith.extui %ge3A_129 : i1 to i32
      %cond3A = arith.constant 0 : i32
      %cond3A_130 = arith.cmpi ne, %convert_element_type3A, %cond3A : i32
      scf.if %cond3A_130 {
        %dma_wait3A_183 = arith.constant 0 : i32
        %dma_wait3A_184 = arith.constant 0 : i32
        %dma_wait3A_185 = tpu.memref_slice %arg18[%dma_wait3A_183, %dma_wait3A_184] : memref<10000x64xf32, #tpu.memory_space<vmem_shared>> -> memref<10000x64xf32, #tpu.memory_space<vmem_shared>>
        tpu.wait_indirect_dma semaphore(%arg16 : memref<!tpu.dma_semaphore, #tpu.memory_space<semaphore_mem>>) src(%arg7 : memref<400x64xf32, #tpu.memory_space<vmem>>) dst(%dma_wait3A_185 : memref<10000x64xf32, #tpu.memory_space<vmem_shared>>)
      } else {
      }
      %lt3A = arith.constant 48 : i32
      %lt3A_131 = arith.cmpi slt, %add3A_118, %lt3A : i32
      %convert_element_type3A_132 = arith.extui %lt3A_131 : i1 to i32
      %cond3A_133 = arith.constant 0 : i32
      %cond3A_134 = arith.cmpi ne, %convert_element_type3A_132, %cond3A_133 : i32
      scf.if %cond3A_134 {
        %add3A_183 = arith.constant 2 : i32
        %add3A_184 = arith.addi %add3A_118, %add3A_183 : i32
        %mul3A_185 = arith.constant 400 : i32
        %mul3A_186 = arith.muli %add3A_184, %mul3A_185 : i32
        %add3A_187 = arith.addi %mul3A_2, %mul3A_186 : i32
        %dma_start3A_188 = tpu.memref_slice %arg2[%add3A_187, %mul3A_0] : memref<320000x128xf32, #tpu.memory_space<hbm>> -> memref<400x64xf32, #tpu.memory_space<hbm>>
        %dma_start3A_189 = tpu.memref_slice %arg2[%add3A_187, %mul3A_0] : memref<320000x128xf32, #tpu.memory_space<hbm>> -> memref<400x64xf32, #tpu.memory_space<hbm>>
        tpu.enqueue_dma source(%dma_start3A_189 : memref<400x64xf32, #tpu.memory_space<hbm>>) target(%arg7 : memref<400x64xf32, #tpu.memory_space<vmem>>) target_semaphore(%arg13 : memref<!tpu.dma_semaphore, #tpu.memory_space<semaphore_mem>>)
        %dma_start3A_190 = tpu.memref_slice %arg3[%add3A_187] : memref<320000xi32, #tpu.memory_space<hbm>> -> memref<400xi32, #tpu.memory_space<hbm>>
        %dma_start3A_191 = tpu.memref_slice %arg3[%add3A_187] : memref<320000xi32, #tpu.memory_space<hbm>> -> memref<400xi32, #tpu.memory_space<hbm>>
        tpu.enqueue_dma source(%dma_start3A_191 : memref<400xi32, #tpu.memory_space<hbm>>) target(%arg10 : memref<400xi32, #tpu.memory_space<vmem>>) target_semaphore(%arg13 : memref<!tpu.dma_semaphore, #tpu.memory_space<semaphore_mem>>)
      } else {
      }
      %mul3A_135 = arith.constant 3 : i32
      %mul3A_136 = arith.muli %scan3A_114, %mul3A_135 : i32
      %add3A_137 = arith.constant 1 : i32
      %add3A_138 = arith.addi %mul3A_136, %add3A_137 : i32
      %mul3A_139 = arith.constant 400 : i32
      %mul3A_140 = arith.muli %add3A_138, %mul3A_139 : i32
      %add3A_141 = arith.addi %mul3A_2, %mul3A_140 : i32
      %dma_wait3A_142 = tpu.memref_slice %arg2[%add3A_141, %mul3A_0] : memref<320000x128xf32, #tpu.memory_space<hbm>> -> memref<400x64xf32, #tpu.memory_space<hbm>>
      %dma_wait3A_143 = tpu.memref_slice %arg2[%add3A_141, %mul3A_0] : memref<320000x128xf32, #tpu.memory_space<hbm>> -> memref<400x64xf32, #tpu.memory_space<hbm>>
      tpu.wait_dma2 semaphore(%arg12 : memref<!tpu.dma_semaphore, #tpu.memory_space<semaphore_mem>>) src(%dma_wait3A_143 : memref<400x64xf32, #tpu.memory_space<hbm>>) dst(%arg6 : memref<400x64xf32, #tpu.memory_space<vmem>>)
      %dma_wait3A_144 = tpu.memref_slice %arg3[%add3A_141] : memref<320000xi32, #tpu.memory_space<hbm>> -> memref<400xi32, #tpu.memory_space<hbm>>
      %dma_wait3A_145 = tpu.memref_slice %arg3[%add3A_141] : memref<320000xi32, #tpu.memory_space<hbm>> -> memref<400xi32, #tpu.memory_space<hbm>>
      tpu.wait_dma2 semaphore(%arg12 : memref<!tpu.dma_semaphore, #tpu.memory_space<semaphore_mem>>) src(%dma_wait3A_145 : memref<400xi32, #tpu.memory_space<hbm>>) dst(%arg9 : memref<400xi32, #tpu.memory_space<vmem>>)
      %dma_start3A_146 = arith.constant 0 : i32
      %dma_start3A_147 = arith.constant 0 : i32
      %dma_start3A_148 = tpu.memref_slice %arg18[%dma_start3A_146, %dma_start3A_147] : memref<10000x64xf32, #tpu.memory_space<vmem_shared>> -> memref<10000x64xf32, #tpu.memory_space<vmem_shared>>
      tpu.enqueue_indirect_dma source(%arg6 : memref<400x64xf32, #tpu.memory_space<vmem>>) target(%dma_start3A_148 : memref<10000x64xf32, #tpu.memory_space<vmem_shared>>) offsets(%arg9 : memref<400xi32, #tpu.memory_space<vmem>>) semaphore(%arg15 : memref<!tpu.dma_semaphore, #tpu.memory_space<semaphore_mem>>) {add = true}
      %ge3A_149 = arith.constant 1 : i32
      %ge3A_150 = arith.cmpi sge, %add3A_138, %ge3A_149 : i32
      %convert_element_type3A_151 = arith.extui %ge3A_150 : i1 to i32
      %cond3A_152 = arith.constant 0 : i32
      %cond3A_153 = arith.cmpi ne, %convert_element_type3A_151, %cond3A_152 : i32
      scf.if %cond3A_153 {
        %dma_wait3A_183 = arith.constant 0 : i32
        %dma_wait3A_184 = arith.constant 0 : i32
        %dma_wait3A_185 = tpu.memref_slice %arg18[%dma_wait3A_183, %dma_wait3A_184] : memref<10000x64xf32, #tpu.memory_space<vmem_shared>> -> memref<10000x64xf32, #tpu.memory_space<vmem_shared>>
        tpu.wait_indirect_dma semaphore(%arg14 : memref<!tpu.dma_semaphore, #tpu.memory_space<semaphore_mem>>) src(%arg5 : memref<400x64xf32, #tpu.memory_space<vmem>>) dst(%dma_wait3A_185 : memref<10000x64xf32, #tpu.memory_space<vmem_shared>>)
      } else {
      }
      %lt3A_154 = arith.constant 48 : i32
      %lt3A_155 = arith.cmpi slt, %add3A_138, %lt3A_154 : i32
      %convert_element_type3A_156 = arith.extui %lt3A_155 : i1 to i32
      %cond3A_157 = arith.constant 0 : i32
      %cond3A_158 = arith.cmpi ne, %convert_element_type3A_156, %cond3A_157 : i32
      scf.if %cond3A_158 {
        %add3A_183 = arith.constant 2 : i32
        %add3A_184 = arith.addi %add3A_138, %add3A_183 : i32
        %mul3A_185 = arith.constant 400 : i32
        %mul3A_186 = arith.muli %add3A_184, %mul3A_185 : i32
        %add3A_187 = arith.addi %mul3A_2, %mul3A_186 : i32
        %dma_start3A_188 = tpu.memref_slice %arg2[%add3A_187, %mul3A_0] : memref<320000x128xf32, #tpu.memory_space<hbm>> -> memref<400x64xf32, #tpu.memory_space<hbm>>
        %dma_start3A_189 = tpu.memref_slice %arg2[%add3A_187, %mul3A_0] : memref<320000x128xf32, #tpu.memory_space<hbm>> -> memref<400x64xf32, #tpu.memory_space<hbm>>
        tpu.enqueue_dma source(%dma_start3A_189 : memref<400x64xf32, #tpu.memory_space<hbm>>) target(%arg5 : memref<400x64xf32, #tpu.memory_space<vmem>>) target_semaphore(%arg11 : memref<!tpu.dma_semaphore, #tpu.memory_space<semaphore_mem>>)
        %dma_start3A_190 = tpu.memref_slice %arg3[%add3A_187] : memref<320000xi32, #tpu.memory_space<hbm>> -> memref<400xi32, #tpu.memory_space<hbm>>
        %dma_start3A_191 = tpu.memref_slice %arg3[%add3A_187] : memref<320000xi32, #tpu.memory_space<hbm>> -> memref<400xi32, #tpu.memory_space<hbm>>
        tpu.enqueue_dma source(%dma_start3A_191 : memref<400xi32, #tpu.memory_space<hbm>>) target(%arg8 : memref<400xi32, #tpu.memory_space<vmem>>) target_semaphore(%arg11 : memref<!tpu.dma_semaphore, #tpu.memory_space<semaphore_mem>>)
      } else {
      }
      %mul3A_159 = arith.constant 3 : i32
      %mul3A_160 = arith.muli %scan3A_114, %mul3A_159 : i32
      %add3A_161 = arith.constant 2 : i32
      %add3A_162 = arith.addi %mul3A_160, %add3A_161 : i32
      %mul3A_163 = arith.constant 400 : i32
      %mul3A_164 = arith.muli %add3A_162, %mul3A_163 : i32
      %add3A_165 = arith.addi %mul3A_2, %mul3A_164 : i32
      %dma_wait3A_166 = tpu.memref_slice %arg2[%add3A_165, %mul3A_0] : memref<320000x128xf32, #tpu.memory_space<hbm>> -> memref<400x64xf32, #tpu.memory_space<hbm>>
      %dma_wait3A_167 = tpu.memref_slice %arg2[%add3A_165, %mul3A_0] : memref<320000x128xf32, #tpu.memory_space<hbm>> -> memref<400x64xf32, #tpu.memory_space<hbm>>
      tpu.wait_dma2 semaphore(%arg13 : memref<!tpu.dma_semaphore, #tpu.memory_space<semaphore_mem>>) src(%dma_wait3A_167 : memref<400x64xf32, #tpu.memory_space<hbm>>) dst(%arg7 : memref<400x64xf32, #tpu.memory_space<vmem>>)
      %dma_wait3A_168 = tpu.memref_slice %arg3[%add3A_165] : memref<320000xi32, #tpu.memory_space<hbm>> -> memref<400xi32, #tpu.memory_space<hbm>>
      %dma_wait3A_169 = tpu.memref_slice %arg3[%add3A_165] : memref<320000xi32, #tpu.memory_space<hbm>> -> memref<400xi32, #tpu.memory_space<hbm>>
      tpu.wait_dma2 semaphore(%arg13 : memref<!tpu.dma_semaphore, #tpu.memory_space<semaphore_mem>>) src(%dma_wait3A_169 : memref<400xi32, #tpu.memory_space<hbm>>) dst(%arg10 : memref<400xi32, #tpu.memory_space<vmem>>)
      %dma_start3A_170 = arith.constant 0 : i32
      %dma_start3A_171 = arith.constant 0 : i32
      %dma_start3A_172 = tpu.memref_slice %arg18[%dma_start3A_170, %dma_start3A_171] : memref<10000x64xf32, #tpu.memory_space<vmem_shared>> -> memref<10000x64xf32, #tpu.memory_space<vmem_shared>>
      tpu.enqueue_indirect_dma source(%arg7 : memref<400x64xf32, #tpu.memory_space<vmem>>) target(%dma_start3A_172 : memref<10000x64xf32, #tpu.memory_space<vmem_shared>>) offsets(%arg10 : memref<400xi32, #tpu.memory_space<vmem>>) semaphore(%arg16 : memref<!tpu.dma_semaphore, #tpu.memory_space<semaphore_mem>>) {add = true}
      %ge3A_173 = arith.constant 1 : i32
      %ge3A_174 = arith.cmpi sge, %add3A_162, %ge3A_173 : i32
      %convert_element_type3A_175 = arith.extui %ge3A_174 : i1 to i32
      %cond3A_176 = arith.constant 0 : i32
      %cond3A_177 = arith.cmpi ne, %convert_element_type3A_175, %cond3A_176 : i32
      scf.if %cond3A_177 {
        %dma_wait3A_183 = arith.constant 0 : i32
        %dma_wait3A_184 = arith.constant 0 : i32
        %dma_wait3A_185 = tpu.memref_slice %arg18[%dma_wait3A_183, %dma_wait3A_184] : memref<10000x64xf32, #tpu.memory_space<vmem_shared>> -> memref<10000x64xf32, #tpu.memory_space<vmem_shared>>
        tpu.wait_indirect_dma semaphore(%arg15 : memref<!tpu.dma_semaphore, #tpu.memory_space<semaphore_mem>>) src(%arg6 : memref<400x64xf32, #tpu.memory_space<vmem>>) dst(%dma_wait3A_185 : memref<10000x64xf32, #tpu.memory_space<vmem_shared>>)
      } else {
      }
      %lt3A_178 = arith.constant 48 : i32
      %lt3A_179 = arith.cmpi slt, %add3A_162, %lt3A_178 : i32
      %convert_element_type3A_180 = arith.extui %lt3A_179 : i1 to i32
      %cond3A_181 = arith.constant 0 : i32
      %cond3A_182 = arith.cmpi ne, %convert_element_type3A_180, %cond3A_181 : i32
      scf.if %cond3A_182 {
        %add3A_183 = arith.constant 2 : i32
        %add3A_184 = arith.addi %add3A_162, %add3A_183 : i32
        %mul3A_185 = arith.constant 400 : i32
        %mul3A_186 = arith.muli %add3A_184, %mul3A_185 : i32
        %add3A_187 = arith.addi %mul3A_2, %mul3A_186 : i32
        %dma_start3A_188 = tpu.memref_slice %arg2[%add3A_187, %mul3A_0] : memref<320000x128xf32, #tpu.memory_space<hbm>> -> memref<400x64xf32, #tpu.memory_space<hbm>>
        %dma_start3A_189 = tpu.memref_slice %arg2[%add3A_187, %mul3A_0] : memref<320000x128xf32, #tpu.memory_space<hbm>> -> memref<400x64xf32, #tpu.memory_space<hbm>>
        tpu.enqueue_dma source(%dma_start3A_189 : memref<400x64xf32, #tpu.memory_space<hbm>>) target(%arg6 : memref<400x64xf32, #tpu.memory_space<vmem>>) target_semaphore(%arg12 : memref<!tpu.dma_semaphore, #tpu.memory_space<semaphore_mem>>)
        %dma_start3A_190 = tpu.memref_slice %arg3[%add3A_187] : memref<320000xi32, #tpu.memory_space<hbm>> -> memref<400xi32, #tpu.memory_space<hbm>>
        %dma_start3A_191 = tpu.memref_slice %arg3[%add3A_187] : memref<320000xi32, #tpu.memory_space<hbm>> -> memref<400xi32, #tpu.memory_space<hbm>>
        tpu.enqueue_dma source(%dma_start3A_191 : memref<400xi32, #tpu.memory_space<hbm>>) target(%arg9 : memref<400xi32, #tpu.memory_space<vmem>>) target_semaphore(%arg12 : memref<!tpu.dma_semaphore, #tpu.memory_space<semaphore_mem>>)
      } else {
      }
    }
    %scan3A_85 = arith.constant 16 : i32
    %add3A_86 = arith.constant 19200 : i32
    %add3A_87 = arith.addi %mul3A_2, %add3A_86 : i32
    %dma_wait3A_88 = tpu.memref_slice %arg2[%add3A_87, %mul3A_0] : memref<320000x128xf32, #tpu.memory_space<hbm>> -> memref<400x64xf32, #tpu.memory_space<hbm>>
    %dma_wait3A_89 = tpu.memref_slice %arg2[%add3A_87, %mul3A_0] : memref<320000x128xf32, #tpu.memory_space<hbm>> -> memref<400x64xf32, #tpu.memory_space<hbm>>
    tpu.wait_dma2 semaphore(%arg11 : memref<!tpu.dma_semaphore, #tpu.memory_space<semaphore_mem>>) src(%dma_wait3A_89 : memref<400x64xf32, #tpu.memory_space<hbm>>) dst(%arg5 : memref<400x64xf32, #tpu.memory_space<vmem>>)
    %dma_wait3A_90 = tpu.memref_slice %arg3[%add3A_87] : memref<320000xi32, #tpu.memory_space<hbm>> -> memref<400xi32, #tpu.memory_space<hbm>>
    %dma_wait3A_91 = tpu.memref_slice %arg3[%add3A_87] : memref<320000xi32, #tpu.memory_space<hbm>> -> memref<400xi32, #tpu.memory_space<hbm>>
    tpu.wait_dma2 semaphore(%arg11 : memref<!tpu.dma_semaphore, #tpu.memory_space<semaphore_mem>>) src(%dma_wait3A_91 : memref<400xi32, #tpu.memory_space<hbm>>) dst(%arg8 : memref<400xi32, #tpu.memory_space<vmem>>)
    %dma_start3A_92 = arith.constant 0 : i32
    %dma_start3A_93 = arith.constant 0 : i32
    %dma_start3A_94 = tpu.memref_slice %arg18[%dma_start3A_92, %dma_start3A_93] : memref<10000x64xf32, #tpu.memory_space<vmem_shared>> -> memref<10000x64xf32, #tpu.memory_space<vmem_shared>>
    tpu.enqueue_indirect_dma source(%arg5 : memref<400x64xf32, #tpu.memory_space<vmem>>) target(%dma_start3A_94 : memref<10000x64xf32, #tpu.memory_space<vmem_shared>>) offsets(%arg8 : memref<400xi32, #tpu.memory_space<vmem>>) semaphore(%arg14 : memref<!tpu.dma_semaphore, #tpu.memory_space<semaphore_mem>>) {add = true}
    %dma_wait3A_95 = arith.constant 0 : i32
    %dma_wait3A_96 = arith.constant 0 : i32
    %dma_wait3A_97 = tpu.memref_slice %arg18[%dma_wait3A_95, %dma_wait3A_96] : memref<10000x64xf32, #tpu.memory_space<vmem_shared>> -> memref<10000x64xf32, #tpu.memory_space<vmem_shared>>
    tpu.wait_indirect_dma semaphore(%arg16 : memref<!tpu.dma_semaphore, #tpu.memory_space<semaphore_mem>>) src(%arg7 : memref<400x64xf32, #tpu.memory_space<vmem>>) dst(%dma_wait3A_97 : memref<10000x64xf32, #tpu.memory_space<vmem_shared>>)
    %add3A_98 = arith.constant 19600 : i32
    %add3A_99 = arith.addi %mul3A_2, %add3A_98 : i32
    %dma_wait3A_100 = tpu.memref_slice %arg2[%add3A_99, %mul3A_0] : memref<320000x128xf32, #tpu.memory_space<hbm>> -> memref<400x64xf32, #tpu.memory_space<hbm>>
    %dma_wait3A_101 = tpu.memref_slice %arg2[%add3A_99, %mul3A_0] : memref<320000x128xf32, #tpu.memory_space<hbm>> -> memref<400x64xf32, #tpu.memory_space<hbm>>
    tpu.wait_dma2 semaphore(%arg12 : memref<!tpu.dma_semaphore, #tpu.memory_space<semaphore_mem>>) src(%dma_wait3A_101 : memref<400x64xf32, #tpu.memory_space<hbm>>) dst(%arg6 : memref<400x64xf32, #tpu.memory_space<vmem>>)
    %dma_wait3A_102 = tpu.memref_slice %arg3[%add3A_99] : memref<320000xi32, #tpu.memory_space<hbm>> -> memref<400xi32, #tpu.memory_space<hbm>>
    %dma_wait3A_103 = tpu.memref_slice %arg3[%add3A_99] : memref<320000xi32, #tpu.memory_space<hbm>> -> memref<400xi32, #tpu.memory_space<hbm>>
    tpu.wait_dma2 semaphore(%arg12 : memref<!tpu.dma_semaphore, #tpu.memory_space<semaphore_mem>>) src(%dma_wait3A_103 : memref<400xi32, #tpu.memory_space<hbm>>) dst(%arg9 : memref<400xi32, #tpu.memory_space<vmem>>)
    %dma_start3A_104 = arith.constant 0 : i32
    %dma_start3A_105 = arith.constant 0 : i32
    %dma_start3A_106 = tpu.memref_slice %arg18[%dma_start3A_104, %dma_start3A_105] : memref<10000x64xf32, #tpu.memory_space<vmem_shared>> -> memref<10000x64xf32, #tpu.memory_space<vmem_shared>>
    tpu.enqueue_indirect_dma source(%arg6 : memref<400x64xf32, #tpu.memory_space<vmem>>) target(%dma_start3A_106 : memref<10000x64xf32, #tpu.memory_space<vmem_shared>>) offsets(%arg9 : memref<400xi32, #tpu.memory_space<vmem>>) semaphore(%arg15 : memref<!tpu.dma_semaphore, #tpu.memory_space<semaphore_mem>>) {add = true}
    %dma_wait3A_107 = arith.constant 0 : i32
    %dma_wait3A_108 = arith.constant 0 : i32
    %dma_wait3A_109 = tpu.memref_slice %arg18[%dma_wait3A_107, %dma_wait3A_108] : memref<10000x64xf32, #tpu.memory_space<vmem_shared>> -> memref<10000x64xf32, #tpu.memory_space<vmem_shared>>
    tpu.wait_indirect_dma semaphore(%arg14 : memref<!tpu.dma_semaphore, #tpu.memory_space<semaphore_mem>>) src(%arg5 : memref<400x64xf32, #tpu.memory_space<vmem>>) dst(%dma_wait3A_109 : memref<10000x64xf32, #tpu.memory_space<vmem_shared>>)
    %dma_wait3A_110 = arith.constant 0 : i32
    %dma_wait3A_111 = arith.constant 0 : i32
    %dma_wait3A_112 = tpu.memref_slice %arg18[%dma_wait3A_110, %dma_wait3A_111] : memref<10000x64xf32, #tpu.memory_space<vmem_shared>> -> memref<10000x64xf32, #tpu.memory_space<vmem_shared>>
    tpu.wait_indirect_dma semaphore(%arg15 : memref<!tpu.dma_semaphore, #tpu.memory_space<semaphore_mem>>) src(%arg6 : memref<400x64xf32, #tpu.memory_space<vmem>>) dst(%dma_wait3A_112 : memref<10000x64xf32, #tpu.memory_space<vmem_shared>>)
    %barrier3A_113 = arith.constant 0 : index
    tpu.barrier barrier_id(%barrier3A_113)
    "tpu.region"() ({
      %run_scoped3A = tpu.sem_alloc : memref<!tpu.dma_semaphore, #tpu.memory_space<semaphore_mem>>
      %dma_start3A_114 = tpu.memref_slice %arg4[%mul3A_4, %mul3A_0] : memref<10000x128xf32, #tpu.memory_space<hbm>> -> memref<625x64xf32, #tpu.memory_space<hbm>>
      %dma_start3A_115 = arith.constant 0 : i32
      %dma_start3A_116 = tpu.memref_slice %arg18[%mul3A_4, %dma_start3A_115] : memref<10000x64xf32, #tpu.memory_space<vmem_shared>> -> memref<625x64xf32, #tpu.memory_space<vmem_shared>>
      tpu.enqueue_dma source(%dma_start3A_116 : memref<625x64xf32, #tpu.memory_space<vmem_shared>>) target(%dma_start3A_114 : memref<625x64xf32, #tpu.memory_space<hbm>>) target_semaphore(%run_scoped3A : memref<!tpu.dma_semaphore, #tpu.memory_space<semaphore_mem>>)
      %dma_wait3A_117 = tpu.memref_slice %arg4[%mul3A_4, %mul3A_0] : memref<10000x128xf32, #tpu.memory_space<hbm>> -> memref<625x64xf32, #tpu.memory_space<hbm>>
      %dma_wait3A_118 = arith.constant 0 : i32
      %dma_wait3A_119 = tpu.memref_slice %arg18[%mul3A_4, %dma_wait3A_118] : memref<10000x64xf32, #tpu.memory_space<vmem_shared>> -> memref<625x64xf32, #tpu.memory_space<vmem_shared>>
      tpu.wait_dma2 semaphore(%run_scoped3A : memref<!tpu.dma_semaphore, #tpu.memory_space<semaphore_mem>>) src(%dma_wait3A_119 : memref<625x64xf32, #tpu.memory_space<vmem_shared>>) dst(%dma_wait3A_117 : memref<625x64xf32, #tpu.memory_space<hbm>>)
      tpu.yield
    }) : () -> ()
    return
  }
}

</mosaic_0001>

<sc_bundles>
// kernel: kernel.3.cloned.1.call-start
scs
__scs_entry_jumppad:
0x0: {  	(pc) =	sbr.rel $0x88, $3  }
0x1: {  	(tag) =	ssettag $0x0;
	lr =	simm.s32 $0x1  }
0x2: {  	[smem:$0x3F9F] =	sst lr;
	_ =	strace $0xD0000000  }
0x3: {  	_ = 	snop  }
0x4: {  	_ = 	snop  }
0x5: {  	_ = 	snop  }
0x6: {  	_ = 	snop  }
0x7: {  	_ = 	snop  }
__scs_overlays_trampoline_lowered:
0x8: {  	[smem:$0x3FAE] =	sst s0  }
0x9: {  	[smem:$0x3FAF] =	sst s1  }
0xa: {  	[smem:$0x3FB0] =	sst s2  }
0xb: {  	[smem:$0x3FB1] =	sst s3  }
0xc: {  	[smem:$0x3FB2] =	sst s4  }
0xd: {  	[smem:$0x3FB3] =	sst s5  }
0xe: {  	[smem:$0x3FB4] =	sst s6  }
0xf: {  	[smem:$0x3FB5] =	sst s7  }
0x10: {  	[smem:$0x3FB6] =	sst s8  }
0x11: {  	[smem:$0x3FB7] =	sst s9;
	s0 =	simm.s32 @!p0 $0x0  }
0x12: {  	s1 =	sld [smem:$0x3F9D];
	s0 =	simm.s32 @p0 $0x1  }
0x13: {  	[smem:$0x3FB8] =	sst s0;
	s0 =	simm.s32 @!p1 $0x0  }
0x14: {  	s2 =	sld [smem:$0x3F9C];
	s0 =	simm.s32 @p1 $0x1  }
0x15: {  	[smem:$0x3FB9] =	sst s0;
	s0 =	simm.s32 @!p2 $0x0  }
0x16: {  	s3 =	sld [smem:$0x3FDB];
	s0 =	simm.s32 @p2 $0x1  }
0x17: {  	s4 =	simm.s32 $0x1BF5;
	[smem:$0x3FBB] =	sst s0  }
0x18: {  	s0 =	sld [smem:$0x3F9E];
	_ =	swait.ge [sflag:s4], $0x0  }
0x19: {  	s7 =	sld [smem:$0x3F9F]  }
0x1a: {  	s8 =	sadd.s32 $0xFFFFE003, lr  }
0x1b: {  	s9 =	sadd.s32 $0xFFFFFEF7, lr;
	s5 =	simm.s32 $0xFFFFFFFF;
	p2 =	slt.u32 s8, $0xFFFFF086  }
0x1c: {  	p1 =	slt.u32 s9, $0xF7A;
	s5 =	simm.s32 @!p2 $0x0  }
0x1d: {  	s5 =	simm.s32 @p1 $0x1;
	p0 =	seq.s32 s7, s2  }
0x1e: {  	s7 =	smul.u32 @!p0 $0xF7A, s2;
	p2 =	seq.s32 @!p0 s5, $0x0  }
0x1f: {  	s9 =	smul.u32 $0xF7A, s1;
	s8 =	simm.s32 @!p0 $0x1BF5;
	p2 =	por !p2, p0  }
0x20: {  	[sflag:s8] =	ssyncset.s32 @!p0 $0xFFFFF086;
	s6 =	sadd.s32 @!p0 s3, s7;
	s7 =	simm.s32 @!p0 $0x108  }
0x21: {  	s3 =	sadd.s32 s3, s9;
	s6 =	sadd.s32 @!p0 $0x88, s6;
	s7 =	simm.s32 @p2 $0x1082  }
0x22: {  	[simem:s7], [sflag:s8] =	dma.local @!p0 [hbm:s6], $0xF7A  }
0x23: {  	s9 =	sor.u32 $0xD0000000, s2;
	s6 =	simm.s32 $0x108;
	_ =	swait.ge @!p0 [sflag:s8], $0x0  }
0x24: {  	s3 =	sadd.s32 $0x88, s3;
	s6 =	simm.s32 @!p1 $0x1082;
	[sflag:s4] =	ssyncset.s32 $0xFFFFF086  }
0x25: {  	[simem:s6], [sflag:s4] =	dma.local [hbm:s3], $0xF7A  }
0x26: {  	[smem:$0x3F9F] =	sst s1;
	(tag) =	ssettag s2;
	_ =	strace s9  }
0x27: {  	s1 =	sld [smem:$0x3FAF]  }
0x28: {  	s2 =	sld [smem:$0x3FB0]  }
0x29: {  	s4 =	sld [smem:$0x3FB2]  }
0x2a: {  	p0 =	seq.s32 s5, $0x0;
	s5 =	sld [smem:$0x3FB3]  }
0x2b: {  	s6 =	sld [smem:$0x3FB4]  }
0x2c: {  	s7 =	sld [smem:$0x3FB5]  }
0x2d: {  	s3 =	simm.s32 $0x108;
	s8 =	sld [smem:$0x3FB6]  }
0x2e: {  	s3 =	simm.s32 @!p0 $0x1082;
	s9 =	sld [smem:$0x3FB7]  }
0x2f: {  	lr =	sadd.s32 s0, s3;
	s0 =	sld [smem:$0x3FAE]  }
0x30: {  	s3 =	sld [smem:$0x3FB1]  }
0x31: {  	[smem:$0x3FBA] =	sst s10  }
0x32: {  	s10 =	sld [smem:$0x3FB8];
	_ =	sdelay $0x3  }
0x33: {  	p0 =	seq.s32 s10, $0x1;
	s10 =	sld [smem:$0x3FBA];
	_ =	sdelay $0x3  }
0x34: {  	[smem:$0x3FBA] =	sst s10  }
0x35: {  	s10 =	sld [smem:$0x3FB9];
	_ =	sdelay $0x3  }
0x36: {  	p1 =	seq.s32 s10, $0x1;
	s10 =	sld [smem:$0x3FBA];
	_ =	sdelay $0x3  }
0x37: {  	[smem:$0x3FBA] =	sst s10  }
0x38: {  	s10 =	sld [smem:$0x3FBB]  }
0x39: {  	_ = 	snop;
	(pc) =	sbr.ind lr, $3  }
0x3a: {  	_ = 	snop  }
0x3b: {  	_ = 	snop  }
0x3c: {  	p2 =	seq.s32 s10, $0x1;
	s10 =	sld [smem:$0x3FBA]  }
0x3d: {  	_ =	shalt  }
0x3e: {  	_ =	shalt  }
0x3f: {  	_ =	shalt  }
0x40: {  	_ =	shalt  }
0x41: {  	_ =	shalt  }
0x42: {  	_ =	shalt  }
0x43: {  	_ =	shalt  }
0x44: {  	_ =	shalt  }
0x45: {  	_ =	shalt  }
0x46: {  	_ =	shalt  }
0x47: {  	_ =	shalt  }
0x48: {  	_ =	shalt  }
0x49: {  	_ =	shalt  }
0x4a: {  	_ =	shalt  }
0x4b: {  	_ =	shalt  }
0x4c: {  	_ =	shalt  }
0x4d: {  	_ =	shalt  }
0x4e: {  	_ =	shalt  }
0x4f: {  	_ =	shalt  }
0x50: {  	_ =	shalt  }
0x51: {  	_ =	shalt  }
0x52: {  	_ =	shalt  }
0x53: {  	_ =	shalt  }
0x54: {  	_ =	shalt  }
0x55: {  	_ =	shalt  }
0x56: {  	_ =	shalt  }
0x57: {  	_ =	shalt  }
0x58: {  	_ =	shalt  }
0x59: {  	_ =	shalt  }
0x5a: {  	_ =	shalt  }
0x5b: {  	_ =	shalt  }
0x5c: {  	_ =	shalt  }
0x5d: {  	_ =	shalt  }
0x5e: {  	_ =	shalt  }
0x5f: {  	_ =	shalt  }
0x60: {  	_ =	shalt  }
0x61: {  	_ =	shalt  }
0x62: {  	_ =	shalt  }
0x63: {  	_ =	shalt  }
0x64: {  	_ =	shalt  }
0x65: {  	_ =	shalt  }
0x66: {  	_ =	shalt  }
0x67: {  	_ =	shalt  }
0x68: {  	_ =	shalt  }
0x69: {  	_ =	shalt  }
0x6a: {  	_ =	shalt  }
0x6b: {  	_ =	shalt  }
0x6c: {  	_ =	shalt  }
0x6d: {  	_ =	shalt  }
0x6e: {  	_ =	shalt  }
0x6f: {  	_ =	shalt  }
0x70: {  	_ =	shalt  }
0x71: {  	_ =	shalt  }
0x72: {  	_ =	shalt  }
0x73: {  	_ =	shalt  }
0x74: {  	_ =	shalt  }
0x75: {  	_ =	shalt  }
0x76: {  	_ =	shalt  }
0x77: {  	_ =	shalt  }
0x78: {  	_ =	shalt  }
0x79: {  	_ =	shalt  }
0x7a: {  	_ =	shalt  }
0x7b: {  	_ =	shalt  }
0x7c: {  	_ =	shalt  }
0x7d: {  	_ =	shalt  }
0x7e: {  	_ =	shalt  }
0x7f: {  	_ =	shalt  }
0x80: {  	_ =	shalt  }
0x81: {  	_ =	shalt  }
0x82: {  	_ =	shalt  }
0x83: {  	_ =	shalt  }
0x84: {  	_ =	shalt  }
0x85: {  	_ =	shalt  }
0x86: {  	_ =	shalt  }
0x87: {  	_ =	shalt  }
.Lfunc_end0:
.L_simem_size_0:
called_computation_lowered:
.L_overlay_start_0:
0x88: {  	s2 =	sld [smem:$0x3FD9]  }
0x89: {  	s3 =	sld [smem:$0x3FFE];
	_ =	sdelay $0x1  }
0x8a: {  	s1 =	srdreg.scid  }
0x8b: {  	s0 =	sand.u32 $0x1, s1  }
0x8c: {  	s18 =	sshll.u32 s0, $0xA;
	s2 =	sadd.s32 s3, s2  }
0x8d: {  	s2 =	sadd.s32 s2, s18  }
0x8e: {  	[smem:$0x3FC6] =	sst s2  }
0x8f: {  	_ = 	snop  }
0x90: {  	s2 =	sld [smem:$0x3FC9]  }
0x91: {  	s19 =	sld [smem:$0x3FC8]  }
0x92: {  	s4 =	sld [smem:$0x3FD0];
	(tm) =	ssettm $0x1  }
0x93: {  	s5 =	sld [smem:$0x3FFB];
	_ =	sdelay $0x3  }
0x94: {  	_ =	strace s5  }
0x95: {  	s5 =	sld [smem:$0x3FFC];
	_ =	sdelay $0x3  }
0x96: {  	_ =	strace s5  }
0x97: {  	s5 =	sld [smem:$0x3FFD];
	_ =	sdelay $0x3  }
0x98: {  	_ =	strace s5  }
0x99: {  	_ =	strace $0x8FFFFFFF  }
0x9a: {  	s20 =	sld [smem:$0x3FDB];
	_ =	sdelay $0x1  }
0x9b: {  	s6 =	simm.s32 $_scs_section_size  }
0x9c: {  	s7 =	simm.s32 $_size__tile_overlayer_lowered;
	s8 =	simm.s32 $_tile_overlayer_lowered  }
0x9d: {  	s23 =	simm.s32 $0x1BFF;
	s22 =	sshll.u32 s8, $0x1;
	s5 =	sadd.s32 s6, s20  }
0x9e: {  	s9 =	simm.s32 $0x0;
	s21 =	sshll.u32 s7, $0x1;
	s7 =	sadd.s32 s22, s5  }
0x9f: {  	[timem:s9], [sflag:s23] =	dma.local [hbm:s7], s21  }
0xa0: {  	_ =	swait.ge [sflag:s23], s21  }
0xa1: {  	s6 =	ssub.s32 $0x0, s21;
	[sflag:s23] =	ssyncset.done $0x0  }
0xa2: {  	[sflag:s23] =	ssyncadd.s32 s6;
	_ =	sdelay $0x1  }
0xa3: {  	s24 =	simm.s32 $0x1B8B  }
0xa4: {  	_ =	swait.ge [sflag:s24], $0x1  }
0xa5: {  	[sflag:s24] =	ssyncset.done $0x0  }
0xa6: {  	s25 =	simm.s32 $0x1B8E;
	[sflag:s24] =	ssyncadd.s32 $0xFFFFFFFF  }
0xa7: {  	s26 =	simm.s32 $execute0_lowered;
	[smem:$0x3FD2] =	sst s25  }
0xa8: {  	s6 =	sshll.u32 s26, $0x1;
	_ =	strace $0x80000046;
	[dreg:$0x1] =	wrdreg $0xFFFFFFFF  }
0xa9: {  	s28 =	simm.s32 $_size_execute0_lowered;
	s5 =	sadd.s32 s5, s6;
	[dreg:$0x0] =	wrdreg $0x0  }
0xaa: {  	s6 =	sshll.u32 s28, $0x1;
	[dreg:$0x2] =	wrdreg s5  }
0xab: {  	[dreg:$0x3] =	wrdreg s6  }
0xac: {  	[dreg:$0x4] =	wrdreg $0xC0  }
0xad: {  	_ =	task [dreg:s9], $0x5FFFF  }
0xae: {  	[dreg:$0x1] =	wrdreg $0xFFFFFFFF  }
0xaf: {  	[dreg:$0x0] =	wrdreg $0x60  }
0xb0: {  	[dreg:$0x2] =	wrdreg s2  }
0xb1: {  	[dreg:$0x3] =	wrdreg s19  }
0xb2: {  	[dreg:$0x4] =	wrdreg s4  }
0xb3: {  	[dreg:$0x5] =	wrdreg $0x14FF00  }
0xb4: {  	[dreg:$0x6] =	wrdreg $0x9  }
0xb5: {  	_ =	task.clear_ibuf [dreg:s9], $0x7FFFF;
	_ =	strace $0x90000046  }
0xb6: {  	s29 =	simm.s32 $0x9;
	_ =	strace $0x80000048  }
0xb7: {  	_ =	swait.ge [sflag:s29], $0x1  }
0xb8: {  	[sflag:s29] =	ssyncadd.s32 $0xFFFFFFFF  }
0xb9: {  	_ =	strace $0x90000048  }
0xba: {  	_ =	sfence  }
0xbb: {  	s30 =	sld [smem:$0x0];
	_ =	sdelay $0x2  }
0xbc: {  	s31 =	sshll.u32 s1, $0xD;
	s1 =	sshrl.u32 s1, $0x2  }
0xbd: {  	s3 =	sand.u32 $0x4000, s31;
	s1 =	sadd.s32 s1, s30  }
0xbe: {  	s0 =	sor.u32 s3, s0;
	s1 =	sshll.u32 s1, $0x11  }
0xbf: {  	s0 =	sor.u32 s1, s0  }
0xc0: {  	s0 =	sadd.s32 $0x8F2B, s0  }
0xc1: {  	[sflag:s0] =	ssyncadd.remote.s32 $0x1  }
0xc2: {  	_ =	sfence.sel $0xFFFF  }
0xc3: {  	[dreg:$0x0] =	wrdreg $0xFFFFFFFF;
	(pc) =	sbr.abs _section_cstart, $3  }
0xc4: {  	[dreg:$0x1] =	wrdreg $0xFFFFFFFF  }
0xc5: {  	_ =	task.clear_ibuf [dreg:s9], $0x2FFFF;
	_ =	strace $0x9FFFFFFF  }
0xc6: {  	(tm) =	ssettm $0x7FFFFFFF  }
0xc7: {  	_ =	shalt  }
tec
execute0_lowered:
.L_overlay_start_1:
0x0: {  	(tag) =	ssettag $0x1  }
0x1: {  	s1 =	rddreg [dreg:$0x0]  }
0x2: {  	s0 =	rddreg [dreg:$0x1]  }
0x3: {  	s2 =	rddreg [dreg:$0x2];
	s13 =	stileid.u32  }
0x4: {  	s3 =	rddreg [dreg:$0x3];
	s6 =	smul.u32 $0x4E20, s13  }
0x5: {  	s4 =	simm.s32 $0x0;
	s5 =	srdreg.scid;
	s7 =	smul.u32 $0x271000, s13  }
0x6: {  	s28 =	simm.s32 $0x1;
	s29 =	simm.s32 $0x190;
	s12 =	smul.u32 $0x27100, s13  }
0x7: {  	s30 =	simm.s32 $0xC800;
	s31 =	simm.s32 $0x12F20;
	s16 =	smul.u32 $0x13880, s13  }
0x8: {  	[smem:$0x7FF] =	sst s4;
	s5 =	sand.u32 $0x1, s5;
	s22 =	smul.u32 $0x9C4, s13  }
0x9: {  	_ =	strace $0x80000047;
	s8 =	ssub.s32 $0x2, s5;
	s5 =	sshll.u32 s5, $0x6  }
0xa: {  	s9 =	sshrl.u32 s8, $0x1;
	s7 =	sor.u32 s5, s7;
	s10 =	sadd.s32 $0x190, s6  }
0xb: {  	s6 =	sshrl.u32 s6, $0x3;
	s15 =	sshrl.u32 s12, $0x2;
	s8 =	ssub.s32 s8, s9  }
0xc: {  	s26 =	sshrl.u32 s7, $0x3;
	s11 =	sshll.u32 s10, $0x7;
	s6 =	sadd.s32 s0, s6  }
0xd: {  	s14 =	sshrl.u32 s10, $0x3;
	s23 =	sadd.s32 $0x32000, s7;
	s25 =	sadd.s32 $0x19000, s7  }
0xe: {  	s13 =	sadd.s32 $0x25800, s7;
	s7 =	simm.s32 $0x7;
	s11 =	sor.u32 s5, s11  }
0xf: {  	s9 =	sadd.s32 s1, s26;
	[dreg:$0x6] =	wrdreg s6;
	s17 =	sadd.s32 s0, s14  }
0x10: {  	s5 =	sor.u32 s5, s16;
	s24 =	smax.u32 s8, $0x1;
	s16 =	sadd.s32 s22, s0  }
0x11: {  	s26 =	sshrl.u32 s25, $0x3;
	s22 =	simm.s32 $0x12C00;
	[dreg:$0x5] =	wrdreg s9  }
0x12: {  	s25 =	simm.s32 $0x130B0;
	s11 =	sshrl.u32 s11, $0x3;
	[dreg:$0x8] =	wrdreg s17  }
0x13: {  	s9 =	sadd.s32 s15, s3;
	[dreg:$0xe] =	wrdreg s24;
	s6 =	sadd.s32 s1, s11  }
0x14: {  	s0 =	simm.s32 $0x2;
	s18 =	sadd.s32 $0x1F40, s9;
	[dreg:$0x7] =	wrdreg s6  }
0x15: {  	s8 =	simm.s32 $0x0;
	s19 =	sadd.s32 $0x3E80, s9;
	[dreg:$0x9] =	wrdreg s18  }
0x16: {  	s5 =	sshrl.u32 s5, $0x3;
	s20 =	sadd.s32 $0x5DC0, s9;
	[dreg:$0xa] =	wrdreg s19  }
0x17: {  	s24 =	simm.s32 $0x12D90;
	s21 =	sadd.s32 $0x7D00, s9;
	[dreg:$0xb] =	wrdreg s20  }
0x18: {  	s2 =	sadd.s32 s2, s5;
	s5 =	sshrl.u32 s23, $0x3;
	[dreg:$0xc] =	wrdreg s21  }
0x19: {  	s23 =	simm.s32 $0x6400;
	[dreg:$0xd] =	wrdreg s2;
	s12 =	sadd.s32 s5, s1  }
0x1a: {  	s19 =	sadd.s32 s26, s1;
	s20 =	simm.s32 $0x40;
	s21 =	simm.s32 $0x80  }
0x1b: {  	v0 =	vimm.f32 $0.0e+00;
	s26 =	simm.s32 $0x4;
	s2 =	simm.s32 $0x3;
	s5 =	simm.s32 $0x5  }
.LBB2_1:
0x1c: {  	s6 =	rddreg [dreg:$0x5]  }
0x1d: {  	s15 =	rddreg [dreg:$0x6]  }
0x1e: {  	[tilespmem:s4], [sflag:$0x1] =	stream.strided.gather [hbm4b:s6+s20], $0x6400, s21, s20, $0x38;
	[tilespmem:$0x1EC30] =	vst v63  }
0x1f: {  	s17 =	rddreg [dreg:$0x7];
	s10 =	sand.u32 $0x7F00, s4  }
0x20: {  	[tilespmem:s22], [sflag:$0x1] =	stream.linear.gather [hbm4b:s15+s4], $0x190, $0x38;
	[tilespmem:$0x1EC30] =	vst v63  }
0x21: {  	s18 =	rddreg [dreg:$0x8];
	s11 =	sand.u32 $0x30, s4;
	s14 =	sshrl.u32 s10, $0x2  }
0x22: {  	[tilespmem:s23], [sflag:$0x2] =	stream.strided.gather [hbm4b:s17+s20], $0x6400, s21, s20, $0x38;
	[tilespmem:$0x1EC30] =	vst v63  }
0x23: {  	s10 =	simm.s32 $0x40;
	s14 =	sor.u32 s11, s14;
	s11 =	simm.s32 $0x0  }
0x24: {  	[tilespmem:s24], [sflag:$0x2] =	stream.linear.gather [hbm4b:s18+s4], $0x190, $0x38;
	[tilespmem:$0x1EC30] =	vst v63  }
.LBB2_2:
0x25: {  	p0 =	sne.s32 s10, $0x7CC0  }
0x26: {  	[tilespmem:s14+$0x130B0] =	vst v0;
	s11 =	sadd.s32 $0x10, s11;
	s14 =	smov.u32 s10;
	s10 =	sadd.s32 $0x40, s10  }
.Ltmp0:
0x27: {  	(pc) =	sbr.rel @p0 .LBB2_2-.Ltmp0, $4  }
0x28: {  	_ = 	snop  }
0x29: {  	s14 =	sand.u32 $0x7F00, s14  }
0x2a: {  	s17 =	sand.u32 $0x30, s11;
	s14 =	sshrl.u32 s14, $0x2  }
0x2b: {  	s14 =	sor.u32 s17, s14  }
0x2c: {  	[tilespmem:s14+$0x130B0] =	vst v0  }
0x2d: {  	[spmem:s9] =	stream.linear.scatter [tilespmem:s25], [sflag:$0x4], $0x1F40, $0x38;
	[tilespmem:$0x1EC30] =	vst v63  }
0x2e: {  	s6 =	rddreg [dreg:$0x9]  }
0x2f: {  	[spmem:s6] =	stream.linear.scatter [tilespmem:s25], [sflag:$0x4], $0x1F40, $0x38;
	[tilespmem:$0x1EC30] =	vst v63  }
0x30: {  	s10 =	rddreg [dreg:$0xa]  }
0x31: {  	[spmem:s10] =	stream.linear.scatter [tilespmem:s25], [sflag:$0x4], $0x1F40, $0x38;
	[tilespmem:$0x1EC30] =	vst v63  }
0x32: {  	s11 =	rddreg [dreg:$0xb]  }
0x33: {  	[spmem:s11] =	stream.linear.scatter [tilespmem:s25], [sflag:$0x4], $0x1F40, $0x38;
	[tilespmem:$0x1EC30] =	vst v63  }
0x34: {  	s14 =	rddreg [dreg:$0xc]  }
0x35: {  	[spmem:s14] =	stream.linear.scatter [tilespmem:s25], [sflag:$0x4], $0x1F40, $0x38;
	[tilespmem:$0x1EC30] =	vst v63  }
0x36: {  	_ =	swait.ge [sflag:s26], $0x1F40  }
0x37: {  	[sflag:s26] =	ssyncset.done $0x0  }
0x38: {  	[sflag:s26] =	ssyncadd.s32 $0xFFFFE0C0  }
0x39: {  	_ =	swait.ge [sflag:s26], $0x1F40  }
0x3a: {  	[sflag:s26] =	ssyncset.done $0x0  }
0x3b: {  	[sflag:s26] =	ssyncadd.s32 $0xFFFFE0C0  }
0x3c: {  	_ =	swait.ge [sflag:s26], $0x1F40  }
0x3d: {  	[sflag:s26] =	ssyncset.done $0x0  }
0x3e: {  	[sflag:s26] =	ssyncadd.s32 $0xFFFFE0C0  }
0x3f: {  	_ =	swait.ge [sflag:s26], $0x1F40  }
0x40: {  	[sflag:s26] =	ssyncset.done $0x0  }
0x41: {  	[sflag:s26] =	ssyncadd.s32 $0xFFFFE0C0  }
0x42: {  	_ =	swait.ge [sflag:s26], $0x1F40  }
0x43: {  	[sflag:s26] =	ssyncset.done $0x0  }
0x44: {  	[sflag:s26] =	ssyncadd.s32 $0xFFFFE0C0  }
0x45: {  	[bflag:$0x0] =	sbarrier.arrive $0xFFFF  }
0x46: {  	_ =	swait.ge [sflag:s28], $0x6400  }
0x47: {  	[sflag:s28] =	ssyncset.done $0x0  }
0x48: {  	[sflag:s28] =	ssyncadd.s32 $0xFFFF9C00  }
0x49: {  	_ =	swait.ge [sflag:s28], $0x190  }
0x4a: {  	p0 =	por $0x1, $0x1;
	[sflag:s28] =	ssyncset.done $0x0  }
0x4b: {  	s10 =	simm.s32 @!p0 $0x6;
	[sflag:s28] =	ssyncadd.s32 $0xFFFFFE70  }
0x4c: {  	[spmem:s3] =	stream.indirect.scatter.add.f32 [tilespmem:s4], [sflag:$0x4], $0x40, s22, s29, $0xb8;
	[tilespmem:$0x1EC30] =	vst v63  }
0x4d: {  	_ =	swait.ge @!p0 [sflag:s10], $0x6400  }
0x4e: {  	[sflag:s10] =	ssyncset.done @!p0 $0x0  }
0x4f: {  	s11 =	sadd.s32 $0x0, s16;
	[sflag:s10] =	ssyncadd.s32 @!p0 $0xFFFF9C00  }
0x50: {  	[tilespmem:s30], [sflag:$0x3] =	stream.strided.gather [hbm4b:s19+s20], $0x6400, s21, s20, $0x38;
	[tilespmem:$0x1EC30] =	vst v63  }
0x51: {  	s15 =	sadd.s32 $0x64, s11  }
0x52: {  	[tilespmem:s31], [sflag:$0x3] =	stream.linear.gather [hbm4b:s15+s4], $0x190, $0x38;
	[tilespmem:$0x1EC30] =	vst v63  }
0x53: {  	_ =	swait.ge [sflag:s0], $0x6400  }
0x54: {  	[sflag:s0] =	ssyncset.done $0x0  }
0x55: {  	[sflag:s0] =	ssyncadd.s32 $0xFFFF9C00  }
0x56: {  	_ =	swait.ge [sflag:s0], $0x190  }
0x57: {  	[sflag:s0] =	ssyncset.done $0x0  }
0x58: {  	[sflag:s0] =	ssyncadd.s32 $0xFFFFFE70  }
0x59: {  	[spmem:s3] =	stream.indirect.scatter.add.f32 [tilespmem:s23], [sflag:$0x5], $0x40, s24, s29, $0xb8;
	[tilespmem:$0x1EC30] =	vst v63  }
0x5a: {  	_ =	swait.ge [sflag:s26], $0x6400  }
0x5b: {  	s17 =	sshrl.u32 s13, $0x3;
	[sflag:s26] =	ssyncset.done $0x0  }
0x5c: {  	s10 =	sadd.s32 s1, s17;
	[sflag:s26] =	ssyncadd.s32 $0xFFFF9C00  }
0x5d: {  	[tilespmem:s4], [sflag:$0x1] =	stream.strided.gather [hbm4b:s10+s20], $0x6400, s21, s20, $0x38;
	[tilespmem:$0x1EC30] =	vst v63  }
0x5e: {  	s18 =	sadd.s32 $0x96, s11  }
0x5f: {  	[tilespmem:s22], [sflag:$0x1] =	stream.linear.gather [hbm4b:s18+s4], $0x190, $0x38;
	[tilespmem:$0x1EC30] =	vst v63  }
0x60: {  	_ =	swait.ge [sflag:s2], $0x6400  }
0x61: {  	[sflag:s2] =	ssyncset.done $0x0  }
0x62: {  	[sflag:s2] =	ssyncadd.s32 $0xFFFF9C00  }
0x63: {  	_ =	swait.ge [sflag:s2], $0x190  }
0x64: {  	[sflag:s2] =	ssyncset.done $0x0  }
0x65: {  	[sflag:s2] =	ssyncadd.s32 $0xFFFFFE70  }
0x66: {  	[spmem:s3] =	stream.indirect.scatter.add.f32 [tilespmem:s30], [sflag:$0x6], $0x40, s31, s29, $0xb8;
	[tilespmem:$0x1EC30] =	vst v63  }
0x67: {  	s14 =	sadd.s32 $0xC8, s11;
	_ =	swait.ge [sflag:s5], $0x6400  }
0x68: {  	s11 =	sadd.s32 $0x4B00, s19;
	s17 =	smov.u32 s12;
	[sflag:s5] =	ssyncset.done $0x0  }
0x69: {  	s10 =	simm.s32 $0x96;
	s18 =	smov.u32 s13;
	[sflag:s5] =	ssyncadd.s32 $0xFFFF9C00  }
0x6a: {  	[tilespmem:s23], [sflag:$0x2] =	stream.strided.gather [hbm4b:s12+s20], $0x6400, s21, s20, $0x38;
	[tilespmem:$0x1EC30] =	vst v63  }
.LBB2_4:
0x6b: {  	s17 =	sadd.s32 $0x4B00, s17  }
0x6c: {  	s18 =	sadd.s32 $0x25800, s18;
	s15 =	smov.u32 s10;
	s10 =	sadd.s32 $0x96, s10  }
0x6d: {  	[tilespmem:s24], [sflag:$0x2] =	stream.linear.gather [hbm4b:s14+s4], $0x190, $0x38;
	[tilespmem:$0x1EC30] =	vst v63  }
0x6e: {  	p0 =	sne.s32 s10, $0x960;
	_ =	swait.ge [sflag:s28], $0x6400  }
0x6f: {  	[sflag:s28] =	ssyncset.done $0x0  }
0x70: {  	[sflag:s28] =	ssyncadd.s32 $0xFFFF9C00  }
0x71: {  	_ =	swait.ge [sflag:s28], $0x190  }
0x72: {  	[sflag:s28] =	ssyncset.done $0x0  }
0x73: {  	p1 =	seq.s32 s15, $0x0;
	[sflag:s28] =	ssyncadd.s32 $0xFFFFFE70  }
0x74: {  	[spmem:s3] =	stream.indirect.scatter.add.f32 [tilespmem:s4], [sflag:$0x4], $0x40, s22, s29, $0xb8;
	[tilespmem:$0x1EC30] =	vst v63  }
0x75: {  	s14 =	simm.s32 @!p1 $0x6  }
0x76: {  	_ =	swait.ge @!p1 [sflag:s14], $0x6400  }
0x77: {  	[sflag:s14] =	ssyncset.done @!p1 $0x0  }
0x78: {  	[sflag:s14] =	ssyncadd.s32 @!p1 $0xFFFF9C00;
	s14 =	sadd.s32 s15, s16  }
0x79: {  	[tilespmem:s30], [sflag:$0x3] =	stream.strided.gather [hbm4b:s11+s20], $0x6400, s21, s20, $0x38;
	[tilespmem:$0x1EC30] =	vst v63  }
0x7a: {  	s15 =	sadd.s32 $0x64, s14  }
0x7b: {  	[tilespmem:s31], [sflag:$0x3] =	stream.linear.gather [hbm4b:s15+s4], $0x190, $0x38;
	[tilespmem:$0x1EC30] =	vst v63  }
0x7c: {  	_ =	swait.ge [sflag:s0], $0x6400  }
0x7d: {  	[sflag:s0] =	ssyncset.done $0x0  }
0x7e: {  	[sflag:s0] =	ssyncadd.s32 $0xFFFF9C00  }
0x7f: {  	_ =	swait.ge [sflag:s0], $0x190  }
0x80: {  	[sflag:s0] =	ssyncset.done $0x0  }
0x81: {  	[sflag:s0] =	ssyncadd.s32 $0xFFFFFE70  }
0x82: {  	[spmem:s3] =	stream.indirect.scatter.add.f32 [tilespmem:s23], [sflag:$0x5], $0x40, s24, s29, $0xb8;
	[tilespmem:$0x1EC30] =	vst v63  }
0x83: {  	s15 =	sshrl.u32 s18, $0x3;
	_ =	swait.ge [sflag:s26], $0x6400  }
0x84: {  	s15 =	sadd.s32 s1, s15;
	[sflag:s26] =	ssyncset.done $0x0  }
0x85: {  	s6 =	sadd.s32 $0x96, s14;
	[sflag:s26] =	ssyncadd.s32 $0xFFFF9C00  }
0x86: {  	[tilespmem:s4], [sflag:$0x1] =	stream.strided.gather [hbm4b:s15+s20], $0x6400, s21, s20, $0x38;
	[tilespmem:$0x1EC30] =	vst v63  }
0x87: {  	_ = 	snop  }
0x88: {  	[tilespmem:s22], [sflag:$0x1] =	stream.linear.gather [hbm4b:s6+s4], $0x190, $0x38;
	[tilespmem:$0x1EC30] =	vst v63  }
0x89: {  	_ =	swait.ge [sflag:s2], $0x6400  }
0x8a: {  	[sflag:s2] =	ssyncset.done $0x0  }
0x8b: {  	[sflag:s2] =	ssyncadd.s32 $0xFFFF9C00  }
0x8c: {  	_ =	swait.ge [sflag:s2], $0x190  }
0x8d: {  	[sflag:s2] =	ssyncset.done $0x0  }
0x8e: {  	[sflag:s2] =	ssyncadd.s32 $0xFFFFFE70  }
0x8f: {  	[spmem:s3] =	stream.indirect.scatter.add.f32 [tilespmem:s30], [sflag:$0x6], $0x40, s31, s29, $0xb8;
	[tilespmem:$0x1EC30] =	vst v63  }
.Ltmp1:
0x90: {  	_ = 	snop;
	(pc) =	sbr.rel @p0 .LBB2_4-.Ltmp1, $4  }
0x91: {  	_ =	swait.ge [sflag:s5], $0x6400  }
0x92: {  	[sflag:s5] =	ssyncset.done $0x0  }
0x93: {  	s14 =	sadd.s32 $0xC8, s14;
	s11 =	sadd.s32 $0x4B00, s11;
	[sflag:s5] =	ssyncadd.s32 $0xFFFF9C00  }
0x94: {  	[tilespmem:s23], [sflag:$0x2] =	stream.strided.gather [hbm4b:s17+s20], $0x6400, s21, s20, $0x38;
	[tilespmem:$0x1EC30] =	vst v63  }
0x95: {  	[tilespmem:s24], [sflag:$0x2] =	stream.linear.gather [hbm4b:s14+s4], $0x190, $0x38;
	[tilespmem:$0x1EC30] =	vst v63  }
0x96: {  	_ =	swait.ge [sflag:s28], $0x6400  }
0x97: {  	[sflag:s28] =	ssyncset.done $0x0  }
0x98: {  	[sflag:s28] =	ssyncadd.s32 $0xFFFF9C00  }
0x99: {  	_ =	swait.ge [sflag:s28], $0x190  }
0x9a: {  	[sflag:s28] =	ssyncset.done $0x0  }
0x9b: {  	s6 =	simm.s32 $0x6;
	[sflag:s28] =	ssyncadd.s32 $0xFFFFFE70  }
0x9c: {  	[spmem:s3] =	stream.indirect.scatter.add.f32 [tilespmem:s4], [sflag:$0x4], $0x40, s22, s29, $0xb8;
	[tilespmem:$0x1EC30] =	vst v63  }
0x9d: {  	_ =	swait.ge [sflag:s6], $0x6400  }
0x9e: {  	[sflag:s6] =	ssyncset.done $0x0  }
0x9f: {  	[sflag:s6] =	ssyncadd.s32 $0xFFFF9C00  }
0xa0: {  	_ =	swait.ge [sflag:s0], $0x6400  }
0xa1: {  	[sflag:s0] =	ssyncset.done $0x0  }
0xa2: {  	[sflag:s0] =	ssyncadd.s32 $0xFFFF9C00  }
0xa3: {  	_ =	swait.ge [sflag:s0], $0x190  }
0xa4: {  	[sflag:s0] =	ssyncset.done $0x0  }
0xa5: {  	[sflag:s0] =	ssyncadd.s32 $0xFFFFFE70  }
0xa6: {  	[spmem:s3] =	stream.indirect.scatter.add.f32 [tilespmem:s23], [sflag:$0x5], $0x40, s24, s29, $0xb8;
	[tilespmem:$0x1EC30] =	vst v63  }
0xa7: {  	_ =	swait.ge [sflag:s26], $0x6400  }
0xa8: {  	[sflag:s26] =	ssyncset.done $0x0  }
0xa9: {  	[sflag:s26] =	ssyncadd.s32 $0xFFFF9C00  }
0xaa: {  	_ =	swait.ge [sflag:s5], $0x6400  }
0xab: {  	[sflag:s5] =	ssyncset.done $0x0  }
0xac: {  	s15 =	stileid.u32;
	s10 =	sshrl.u32 s9, $0x3;
	[sflag:s5] =	ssyncadd.s32 $0xFFFF9C00  }
0xad: {  	s17 =	simm.s32 $0x10;
	s6 =	sshll.u32 s15, $0x6;
	[bflag:$0x0] =	sbarrier.arrive $0xFFFF  }
0xae: {  	s15 =	simm.s32 $0x8;
	s6 =	sor.u32 $0x1C07, s6;
	s11 =	rddreg [dreg:$0xd]  }
0xaf: {  	[hbm:s11@s17], [sflag:s6] =	dma.strided [spmem:s10@s15], $0x1388, s28, $0x8   }
0xb0: {  	_ =	swait.ge [sflag:s7], $0x1388  }
0xb1: {  	s8 =	sadd.s32 $0x1, s8;
	s18 =	rddreg [dreg:$0xe]  }
0xb2: {  	p0 =	sne.s32 s8, s18  }
.Ltmp2:
0xb3: {  	_ = 	snop;
	(pc) =	sbr.rel @p0 .LBB2_1-.Ltmp2, $3  }
0xb4: {  	_ =	sdelay $0x1  }
0xb5: {  	[sflag:s7] =	ssyncset.done $0x0  }
0xb6: {  	[sflag:s7] =	ssyncadd.s32 $0xFFFFEC78  }
0xb7: {  	_ =	sfence.sel $0x180000  }
0xb8: {  	[bflag:$0x0] =	sbarrier.arrive $0xFFFF  }
0xb9: {  	_ =	strace $0x90000047  }
0xba: {  	s0 =	stileid.u32;
	[bflag:$0x2] =	sbarrier.arrive $0xFFFF  }
0xbb: {  	p0 =	sne.s32 s0, $0x0;
	s0 =	rddreg [dreg:$0x4]  }
0xbc: {  	s0 =	sadd.s32 @!p0 $0x100000, s0  }
0xbd: {  	[sflag:s0] =	ssyncadd.tile.s32 @!p0 $0x1;
	_ =	shalt  }
.Lfunc_end2:
_tile_overlayer_lowered:
.L_overlay_start_2:
0xbe: {  	(tag) =	ssettag $0x2  }
0xbf: {  	s0 =	rddreg [dreg:$0x0];
	s2 =	stileid.u32  }
0xc0: {  	s1 =	rddreg [dreg:$0x1];
	p0 =	sne.s32 s2, $0x0  }
0xc1: {  	s3 =	rddreg [dreg:$0x2];
	[bflag:$0x3] =	sbarrier.arrive $0xFFFF;
	s2 =	simm.s32 @!p0 $0x1C07  }
0xc2: {  	[timem:s3], [sflag:s2] =	dma.local @!p0 [hbm:s0], s1  }
0xc3: {  	s0 =	simm.s32 @!p0 $0x7  }
0xc4: {  	_ =	swait.ge @!p0 [sflag:s0], s1  }
0xc5: {  	s1 =	ssub.s32 @!p0 $0x0, s1;
	[sflag:s0] =	ssyncset.done @!p0 $0x0  }
0xc6: {  	[sflag:s0] =	ssyncadd.s32 @!p0 s1  }
0xc7: {  	[bflag:$0x3] =	sbarrier.arrive $0xFFFF  }
0xc8: {  	_ =	shalt  }

</sc_bundles>
